<compile_context>
chip_gen: v7x
topology: tpu7x:2x2x1
jax: 0.10.2.dev20260603
libtpu: 0.0.44.dev20260713+nightly
codegen_flags: <defaults>
</compile_context>

<pallas_src>
import functools

import jax
import jax.numpy as jnp
from jax import lax
from jax.experimental import pallas as pl
from jax.experimental.pallas import tpu as pltpu
from jax.experimental.pallas import tpu_sc as plsc

_R = 384
_S = 2048
_D = 128
_BH = 32
_RB = 8


def _row_pos(q, kk):
    c_row = lax.dot_general(q, kk, (((1,), (1,)), ((), ())),
                            preferred_element_type=jnp.float32)
    c_col = lax.transpose(c_row[:, 1:_R + 1], (1, 0))

    base = jnp.sum((c_row < c_col).astype(jnp.int32),
                   axis=1, keepdims=True)
    cL = c_row[:, :_R]
    jT = lax.broadcasted_iota(jnp.int32, (_R, _R), 1)
    iT = lax.broadcasted_iota(jnp.int32, (_R, _R), 0) + 1
    tie = jnp.sum(((cL == c_col) & (jT < iT)).astype(jnp.int32),
                  axis=1, keepdims=True)
    c0 = c_row[:, :1]
    corr = (c0 <= c_col).astype(jnp.int32)
    pos = base + tie - corr + 1
    return lax.transpose(pos, (1, 0))


def _tc_block_kernel(q_ref, k_ref, pos_ref):
    for r in range(_RB):
        pos_ref[r] = _row_pos(q_ref[r], k_ref[r])


def _tc_positions(q, k):
    q0 = q[:, :1, :]
    pos = pl.pallas_call(
        _tc_block_kernel,
        grid=(_BH // _RB,),
        in_specs=[
            pl.BlockSpec((_RB, 1, _D), lambda b: (b, 0, 0)),
            pl.BlockSpec((_RB, _S, _D), lambda b: (b, 0, 0)),
        ],
        out_specs=pl.BlockSpec((_RB, 1, _R), lambda b: (b, 0, 0)),
        out_shape=jax.ShapeDtypeStruct((_BH, 1, _R), jnp.int32),
    )(q0, k)
    return pos.reshape(_BH, _R)


def _sc_scatter(pos):
    mesh = plsc.VectorSubcoreMesh(core_axis_name="c", subcore_axis_name="s")

    @functools.partial(
        pl.kernel,
        mesh=mesh,
        compiler_params=pltpu.CompilerParams(needs_layout_passes=False),
        out_type=jax.ShapeDtypeStruct((_BH, _S), jnp.int32),
        scratch_types=[
            pltpu.VMEM((_R,), jnp.int32),
            pltpu.VMEM((_S,), jnp.int32),
        ],
    )
    def scatter_kernel(pos_hbm, out_hbm, pos_v, row_v):
        wid = lax.axis_index("s") * 2 + lax.axis_index("c")
        pltpu.sync_copy(pos_hbm.at[wid], pos_v)
        zeros16 = jnp.zeros((16,), jnp.int32)
        ones16 = jnp.ones((16,), jnp.int32)

        def zbody(i, carry):
            row_v[pl.ds(i * 16, 16)] = zeros16
            return carry
        lax.fori_loop(0, _S // 16, zbody, 0)
        row_v[pl.ds(0, 16)] = jnp.where(
            lax.iota(jnp.int32, 16) == 0, 1, 0).astype(jnp.int32)

        def sbody(i, carry):
            idx = pos_v[pl.ds(i * 16, 16)]
            plsc.store_scatter(row_v, [idx], ones16)
            return carry
        lax.fori_loop(0, _R // 16, sbody, 0)
        pltpu.sync_copy(row_v, out_hbm.at[wid])

    return scatter_kernel(pos)


def kernel(q, k):
    pos = _tc_positions(q, k)
    return _sc_scatter(pos) != 0

# --- scband reference (transcript-rebuilt; emitter-appended) ---
"""Pipeline reference for scband-token-sampler-65867618452182 (READ-ONLY COPY).

The authoritative reference and input builder live on the scoring server;
editing this copy changes nothing except your own understanding.
"""

import jax, jax.numpy as jnp
import numpy as np


def setup_inputs(seed: int = 0) -> dict:
    key = jax.random.key(seed)
    k1, k2 = jax.random.split(key)
    q = jax.random.normal(k1, (32, 2048, 128), dtype=jnp.float32)
    k = jax.random.normal(k2, (32, 2048, 128), dtype=jnp.float32)
    return {"q": q, "k": k}


def reference(q, k):
    # TokenSampler with strategy='top_sample' (TopSample.forward)
    r = 384
    # a = q[..., :1, :] @ k[..., 1:, :]^T -> [BH, 1, S-1] -> [BH, S-1]
    a = jnp.matmul(q[..., :1, :], jnp.swapaxes(k[..., 1:, :], -2, -1))[..., 0, :]
    # torch.sort default: ascending; returned indices are original positions
    idx = jnp.argsort(a, axis=-1)
    index = jnp.concatenate([jnp.zeros_like(idx[..., :1]), idx + 1], axis=-1)
    return index <= r

if __name__ == "__main__":
    import jax
    _d = setup_inputs()
    print(jax.jit(kernel)(*tuple(_d.values())))

</pallas_src>

<mosaic_0001>
#map = affine_map<(d0, d1) -> (0, 0)>
module attributes {stable_mosaic.version = 14 : i64} {
  func.func @scatter_kernel(%arg0: i32, %arg1: i32, %arg2: memref<32x384xi32, #tpu.memory_space<hbm>>, %arg3: memref<32x2048xi32, #tpu.memory_space<hbm>>, %arg4: memref<384xi32, #tpu.memory_space<vmem>>, %arg5: memref<2048xi32, #tpu.memory_space<vmem>>) attributes {dimension_semantics = [#tpu.dimension_semantics<core_parallel>, #tpu.dimension_semantics<subcore_parallel>], iteration_bounds = array<i64: 2, 16>, scalar_prefetch = 0 : i64, scratch_operands = 2 : i64, tpu.core_type = #tpu.core_type<sc_vector_subcore>, window_params = [{transform_indices = #map}, {transform_indices = #map}]} {
    %mul3A = arith.constant 2 : i32
    %mul3A_0 = arith.muli %arg1, %mul3A : i32
    %add3A = arith.addi %mul3A_0, %arg0 : i32
    "tpu.region"() ({
      %run_scoped3A = tpu.sem_alloc : memref<!tpu.dma_semaphore, #tpu.memory_space<semaphore_mem>>
      %dma_start3A = arith.constant 0 : i32
      %dma_start3A_21 = tpu.memref_slice %arg2[%add3A, %dma_start3A] : memref<32x384xi32, #tpu.memory_space<hbm>> -> memref<1x384xi32, #tpu.memory_space<hbm>>
      %dma_start3A_22 = tpu.memref_squeeze %dma_start3A_21 : memref<1x384xi32, #tpu.memory_space<hbm>> -> memref<384xi32, #tpu.memory_space<hbm>>
      %dma_start3A_23 = arith.constant 0 : i32
      %dma_start3A_24 = tpu.memref_slice %arg2[%add3A, %dma_start3A_23] : memref<32x384xi32, #tpu.memory_space<hbm>> -> memref<1x384xi32, #tpu.memory_space<hbm>>
      %dma_start3A_25 = tpu.memref_squeeze %dma_start3A_24 : memref<1x384xi32, #tpu.memory_space<hbm>> -> memref<384xi32, #tpu.memory_space<hbm>>
      tpu.enqueue_dma source(%dma_start3A_25 : memref<384xi32, #tpu.memory_space<hbm>>) target(%arg4 : memref<384xi32, #tpu.memory_space<vmem>>) target_semaphore(%run_scoped3A : memref<!tpu.dma_semaphore, #tpu.memory_space<semaphore_mem>>)
      %dma_wait3A = arith.constant 0 : i32
      %dma_wait3A_26 = tpu.memref_slice %arg2[%add3A, %dma_wait3A] : memref<32x384xi32, #tpu.memory_space<hbm>> -> memref<1x384xi32, #tpu.memory_space<hbm>>
      %dma_wait3A_27 = tpu.memref_squeeze %dma_wait3A_26 : memref<1x384xi32, #tpu.memory_space<hbm>> -> memref<384xi32, #tpu.memory_space<hbm>>
      %dma_wait3A_28 = arith.constant 0 : i32
      %dma_wait3A_29 = tpu.memref_slice %arg2[%add3A, %dma_wait3A_28] : memref<32x384xi32, #tpu.memory_space<hbm>> -> memref<1x384xi32, #tpu.memory_space<hbm>>
      %dma_wait3A_30 = tpu.memref_squeeze %dma_wait3A_29 : memref<1x384xi32, #tpu.memory_space<hbm>> -> memref<384xi32, #tpu.memory_space<hbm>>
      tpu.wait_dma2 semaphore(%run_scoped3A : memref<!tpu.dma_semaphore, #tpu.memory_space<semaphore_mem>>) src(%dma_wait3A_30 : memref<384xi32, #tpu.memory_space<hbm>>) dst(%arg4 : memref<384xi32, #tpu.memory_space<vmem>>)
      tpu.yield
    }) : () -> ()
    %broadcast_in_dim3A = arith.constant 0 : i32
    %broadcast_in_dim3A_1 = vector.broadcast %broadcast_in_dim3A : i32 to vector<16xi32>
    %broadcast_in_dim3A_2 = arith.constant 1 : i32
    %broadcast_in_dim3A_3 = vector.broadcast %broadcast_in_dim3A_2 : i32 to vector<16xi32>
    %scan3A = arith.constant 0 : i32
    %scan3A_4 = arith.constant 0 : i32
    %scan3A_5 = arith.constant 128 : i32
    %scan3A_6 = arith.addi %scan3A_4, %scan3A_5 : i32
    %scan3A_7 = arith.constant 1 : i32
    scf.for %scan3A_21 = %scan3A_4 to %scan3A_6 step %scan3A_7  : i32 {
      %mul3A_22 = arith.constant 16 : i32
      %mul3A_23 = arith.muli %scan3A_21, %mul3A_22 : i32
      %swap3A_24 = arith.index_cast %mul3A_23 : i32 to index
      %swap3A_25 = tpu.vector_load %arg5[%swap3A_24] {strides = array<i32>} : memref<2048xi32, #tpu.memory_space<vmem>>, vector<16xi32>,
      tpu.vector_store %arg5[%swap3A_24], %broadcast_in_dim3A_1 {strides = array<i32>} : memref<2048xi32, #tpu.memory_space<vmem>>, vector<16xi32>,
    }
    %scan3A_8 = arith.constant 128 : i32
    %iota3A = tpu.iota {dimensions = array<i32: 0>} : vector<16xi32>
    %eq3A = arith.constant 0 : i32
    %eq3A_9 = vector.broadcast %eq3A : i32 to vector<16xi32>
    %eq3A_10 = arith.cmpi eq, %iota3A, %eq3A_9 : vector<16xi32>
    %jit3A = arith.constant 1 : i32
    %jit3A_11 = arith.constant 0 : i32
    %broadcast_in_dim3A_12 = vector.broadcast %jit3A : i32 to vector<16xi32>
    %broadcast_in_dim3A_13 = vector.broadcast %jit3A_11 : i32 to vector<16xi32>
    %select_n3A = arith.select %eq3A_10, %broadcast_in_dim3A_12, %broadcast_in_dim3A_13 : vector<16xi1>, vector<16xi32>
    %swap3A = arith.constant 0 : index
    %swap3A_14 = tpu.vector_load %arg5[%swap3A] {strides = array<i32>} : memref<2048xi32, #tpu.memory_space<vmem>>, vector<16xi32>,
    tpu.vector_store %arg5[%swap3A], %select_n3A {strides = array<i32>} : memref<2048xi32, #tpu.memory_space<vmem>>, vector<16xi32>,
    %scan3A_15 = arith.constant 0 : i32
    %scan3A_16 = arith.constant 0 : i32
    %scan3A_17 = arith.constant 24 : i32
    %scan3A_18 = arith.addi %scan3A_16, %scan3A_17 : i32
    %scan3A_19 = arith.constant 1 : i32
    scf.for %scan3A_21 = %scan3A_16 to %scan3A_18 step %scan3A_19  : i32 {
      %mul3A_22 = arith.constant 16 : i32
      %mul3A_23 = arith.muli %scan3A_21, %mul3A_22 : i32
      %get3A = arith.index_cast %mul3A_23 : i32 to index
      %get3A_24 = tpu.vector_load %arg4[%get3A] {strides = array<i32>} : memref<384xi32, #tpu.memory_space<vmem>>, vector<16xi32>,
      tpu.vector_store_idx %arg5[%get3A_24], %broadcast_in_dim3A_3 : memref<2048xi32, #tpu.memory_space<vmem>>[vector<16xi32>], vector<16xi32>,
    }
    %scan3A_20 = arith.constant 24 : i32
    "tpu.region"() ({
      %run_scoped3A = tpu.sem_alloc : memref<!tpu.dma_semaphore, #tpu.memory_space<semaphore_mem>>
      %dma_start3A = arith.constant 0 : i32
      %dma_start3A_21 = tpu.memref_slice %arg3[%add3A, %dma_start3A] : memref<32x2048xi32, #tpu.memory_space<hbm>> -> memref<1x2048xi32, #tpu.memory_space<hbm>>
      %dma_start3A_22 = tpu.memref_squeeze %dma_start3A_21 : memref<1x2048xi32, #tpu.memory_space<hbm>> -> memref<2048xi32, #tpu.memory_space<hbm>>
      %dma_start3A_23 = arith.constant 0 : i32
      %dma_start3A_24 = tpu.memref_slice %arg3[%add3A, %dma_start3A_23] : memref<32x2048xi32, #tpu.memory_space<hbm>> -> memref<1x2048xi32, #tpu.memory_space<hbm>>
      %dma_start3A_25 = tpu.memref_squeeze %dma_start3A_24 : memref<1x2048xi32, #tpu.memory_space<hbm>> -> memref<2048xi32, #tpu.memory_space<hbm>>
      tpu.enqueue_dma source(%arg5 : memref<2048xi32, #tpu.memory_space<vmem>>) target(%dma_start3A_25 : memref<2048xi32, #tpu.memory_space<hbm>>) target_semaphore(%run_scoped3A : memref<!tpu.dma_semaphore, #tpu.memory_space<semaphore_mem>>)
      %dma_wait3A = arith.constant 0 : i32
      %dma_wait3A_26 = tpu.memref_slice %arg3[%add3A, %dma_wait3A] : memref<32x2048xi32, #tpu.memory_space<hbm>> -> memref<1x2048xi32, #tpu.memory_space<hbm>>
      %dma_wait3A_27 = tpu.memref_squeeze %dma_wait3A_26 : memref<1x2048xi32, #tpu.memory_space<hbm>> -> memref<2048xi32, #tpu.memory_space<hbm>>
      %dma_wait3A_28 = arith.constant 0 : i32
      %dma_wait3A_29 = tpu.memref_slice %arg3[%add3A, %dma_wait3A_28] : memref<32x2048xi32, #tpu.memory_space<hbm>> -> memref<1x2048xi32, #tpu.memory_space<hbm>>
      %dma_wait3A_30 = tpu.memref_squeeze %dma_wait3A_29 : memref<1x2048xi32, #tpu.memory_space<hbm>> -> memref<2048xi32, #tpu.memory_space<hbm>>
      tpu.wait_dma2 semaphore(%run_scoped3A : memref<!tpu.dma_semaphore, #tpu.memory_space<semaphore_mem>>) src(%arg5 : memref<2048xi32, #tpu.memory_space<vmem>>) dst(%dma_wait3A_30 : memref<2048xi32, #tpu.memory_space<hbm>>)
      tpu.yield
    }) : () -> ()
    return
  }
}

module attributes {stable_mosaic.version = 14 : i64} {
  func.func @_tc_block_kernel(%arg0: i32, %arg1: memref<8x1x128xf32, #tpu.memory_space<vmem>>, %arg2: memref<8x2048x128xf32, #tpu.memory_space<vmem>>, %arg3: memref<8x1x384xi32, #tpu.memory_space<vmem>>) attributes {dimension_semantics = [#tpu.dimension_semantics<arbitrary>], iteration_bounds = array<i64: 4>, scalar_prefetch = 0 : i64, scratch_operands = 0 : i64, tpu.core_type = #tpu.core_type<tc>, window_params = [{transform_indices = @transform_0, window_bounds = array<i64: 8, 1, 128>}, {transform_indices = @transform_1, window_bounds = array<i64: 8, 2048, 128>}, {transform_indices = @transform_2, window_bounds = array<i64: 8, 1, 384>}]} {
    %get3A = arith.constant 0 : index
    %get3A_0 = arith.constant 0 : index
    %get3A_1 = arith.constant 0 : index
    %get3A_2 = vector.load %arg1[%get3A, %get3A_0, %get3A_1] : memref<8x1x128xf32, #tpu.memory_space<vmem>>, vector<1x1x128xf32>
    %get3A_3 = vector.shape_cast %get3A_2 : vector<1x1x128xf32> to vector<1x128xf32>
    %get3A_4 = arith.constant 0 : index
    %get3A_5 = arith.constant 0 : index
    %get3A_6 = arith.constant 0 : index
    %get3A_7 = vector.load %arg2[%get3A_4, %get3A_5, %get3A_6] : memref<8x2048x128xf32, #tpu.memory_space<vmem>>, vector<1x2048x128xf32>
    %get3A_8 = vector.shape_cast %get3A_7 : vector<1x2048x128xf32> to vector<2048x128xf32>
    %dot_general3A = arith.constant dense<0.000000e+00> : vector<1x2048xf32>
    %dot_general3A_9 = tpu.matmul %get3A_3, %get3A_8, %dot_general3A {dimension_numbers = #tpu.dot_dimension_numbers<[1], [1], [0], [0], [0, 0, 1, 0], [], []>, transpose_lhs_hint = false} : vector<1x128xf32>, vector<2048x128xf32>, vector<1x2048xf32> -> vector<1x2048xf32>
    %slice3A = vector.extract_strided_slice %dot_general3A_9 {offsets = [0, 1], sizes = [1, 384], strides = [1, 1]} : vector<1x2048xf32> to vector<1x384xf32>
    %transpose3A = tpu.transpose %slice3A, [1, 0] : vector<1x384xf32> -> vector<384x1xf32>
    %lt3A = vector.broadcast %dot_general3A_9 : vector<1x2048xf32> to vector<384x2048xf32>
    %lt3A_10 = vector.broadcast %transpose3A : vector<384x1xf32> to vector<384x2048xf32>
    %lt3A_11 = arith.cmpf olt, %lt3A, %lt3A_10 : vector<384x2048xf32>
    %convert_element_type3A = arith.extui %lt3A_11 : vector<384x2048xi1> to vector<384x2048xi32>
    %reduce_sum3A = arith.constant dense<0> : vector<384xi32>
    %reduce_sum3A_12 = vector.multi_reduction <add>, %convert_element_type3A, %reduce_sum3A [1] : vector<384x2048xi32> to vector<384xi32>
    %broadcast_in_dim3A = vector.shape_cast %reduce_sum3A_12 : vector<384xi32> to vector<384x1xi32>
    %slice3A_13 = vector.extract_strided_slice %dot_general3A_9 {offsets = [0, 0], sizes = [1, 384], strides = [1, 1]} : vector<1x2048xf32> to vector<1x384xf32>
    %iota3A = tpu.iota {dimensions = array<i32: 1>} : vector<384x384xi32>
    %iota3A_14 = tpu.iota {dimensions = array<i32: 0>} : vector<384x384xi32>
    %add3A = arith.constant 1 : i32
    %add3A_15 = vector.broadcast %add3A : i32 to vector<384x384xi32>
    %add3A_16 = arith.addi %iota3A_14, %add3A_15 : vector<384x384xi32>
    %eq3A = vector.broadcast %slice3A_13 : vector<1x384xf32> to vector<384x384xf32>
    %eq3A_17 = vector.broadcast %transpose3A : vector<384x1xf32> to vector<384x384xf32>
    %eq3A_18 = arith.cmpf oeq, %eq3A, %eq3A_17 : vector<384x384xf32>
    %lt3A_19 = arith.cmpi slt, %iota3A, %add3A_16 : vector<384x384xi32>
    %and3A = arith.andi %eq3A_18, %lt3A_19 : vector<384x384xi1>
    %convert_element_type3A_20 = arith.extui %and3A : vector<384x384xi1> to vector<384x384xi32>
    %reduce_sum3A_21 = arith.constant dense<0> : vector<384xi32>
    %reduce_sum3A_22 = vector.multi_reduction <add>, %convert_element_type3A_20, %reduce_sum3A_21 [1] : vector<384x384xi32> to vector<384xi32>
    %broadcast_in_dim3A_23 = vector.shape_cast %reduce_sum3A_22 : vector<384xi32> to vector<384x1xi32>
    %slice3A_24 = vector.extract_strided_slice %dot_general3A_9 {offsets = [0, 0], sizes = [1, 1], strides = [1, 1]} : vector<1x2048xf32> to vector<1x1xf32>
    %le3A = vector.broadcast %slice3A_24 : vector<1x1xf32> to vector<384x1xf32>
    %le3A_25 = arith.cmpf ole, %le3A, %transpose3A : vector<384x1xf32>
    %convert_element_type3A_26 = arith.extui %le3A_25 : vector<384x1xi1> to vector<384x1xi32>
    %add3A_27 = arith.addi %broadcast_in_dim3A, %broadcast_in_dim3A_23 : vector<384x1xi32>
    %sub3A = arith.subi %add3A_27, %convert_element_type3A_26 : vector<384x1xi32>
    %add3A_28 = arith.constant 1 : i32
    %add3A_29 = vector.broadcast %add3A_28 : i32 to vector<384x1xi32>
    %add3A_30 = arith.addi %sub3A, %add3A_29 : vector<384x1xi32>
    %transpose3A_31 = tpu.transpose %add3A_30, [1, 0] : vector<384x1xi32> -> vector<1x384xi32>
    %swap3A = arith.constant 0 : index
    %swap3A_32 = arith.constant 0 : index
    %swap3A_33 = arith.constant 0 : index
    %swap3A_34 = vector.load %arg3[%swap3A, %swap3A_32, %swap3A_33] : memref<8x1x384xi32, #tpu.memory_space<vmem>>, vector<1x1x384xi32>
    %swap3A_35 = vector.shape_cast %swap3A_34 : vector<1x1x384xi32> to vector<1x384xi32>
    %swap3A_36 = vector.shape_cast %transpose3A_31 : vector<1x384xi32> to vector<1x1x384xi32>
    tpu.vector_store %arg3[%swap3A, %swap3A_32, %swap3A_33], %swap3A_36 {strides = array<i32>} : memref<8x1x384xi32, #tpu.memory_space<vmem>>, vector<1x1x384xi32>,
    %get3A_37 = arith.constant 1 : index
    %get3A_38 = arith.constant 0 : index
    %get3A_39 = arith.constant 0 : index
    %get3A_40 = vector.load %arg1[%get3A_37, %get3A_38, %get3A_39] : memref<8x1x128xf32, #tpu.memory_space<vmem>>, vector<1x1x128xf32>
    %get3A_41 = vector.shape_cast %get3A_40 : vector<1x1x128xf32> to vector<1x128xf32>
    %get3A_42 = arith.constant 1 : index
    %get3A_43 = arith.constant 0 : index
    %get3A_44 = arith.constant 0 : index
    %get3A_45 = vector.load %arg2[%get3A_42, %get3A_43, %get3A_44] : memref<8x2048x128xf32, #tpu.memory_space<vmem>>, vector<1x2048x128xf32>
    %get3A_46 = vector.shape_cast %get3A_45 : vector<1x2048x128xf32> to vector<2048x128xf32>
    %dot_general3A_47 = arith.constant dense<0.000000e+00> : vector<1x2048xf32>
    %dot_general3A_48 = tpu.matmul %get3A_41, %get3A_46, %dot_general3A_47 {dimension_numbers = #tpu.dot_dimension_numbers<[1], [1], [0], [0], [0, 0, 1, 0], [], []>, transpose_lhs_hint = false} : vector<1x128xf32>, vector<2048x128xf32>, vector<1x2048xf32> -> vector<1x2048xf32>
    %slice3A_49 = vector.extract_strided_slice %dot_general3A_48 {offsets = [0, 1], sizes = [1, 384], strides = [1, 1]} : vector<1x2048xf32> to vector<1x384xf32>
    %transpose3A_50 = tpu.transpose %slice3A_49, [1, 0] : vector<1x384xf32> -> vector<384x1xf32>
    %lt3A_51 = vector.broadcast %dot_general3A_48 : vector<1x2048xf32> to vector<384x2048xf32>
    %lt3A_52 = vector.broadcast %transpose3A_50 : vector<384x1xf32> to vector<384x2048xf32>
    %lt3A_53 = arith.cmpf olt, %lt3A_51, %lt3A_52 : vector<384x2048xf32>
    %convert_element_type3A_54 = arith.extui %lt3A_53 : vector<384x2048xi1> to vector<384x2048xi32>
    %reduce_sum3A_55 = arith.constant dense<0> : vector<384xi32>
    %reduce_sum3A_56 = vector.multi_reduction <add>, %convert_element_type3A_54, %reduce_sum3A_55 [1] : vector<384x2048xi32> to vector<384xi32>
    %broadcast_in_dim3A_57 = vector.shape_cast %reduce_sum3A_56 : vector<384xi32> to vector<384x1xi32>
    %slice3A_58 = vector.extract_strided_slice %dot_general3A_48 {offsets = [0, 0], sizes = [1, 384], strides = [1, 1]} : vector<1x2048xf32> to vector<1x384xf32>
    %iota3A_59 = tpu.iota {dimensions = array<i32: 1>} : vector<384x384xi32>
    %iota3A_60 = tpu.iota {dimensions = array<i32: 0>} : vector<384x384xi32>
    %add3A_61 = arith.constant 1 : i32
    %add3A_62 = vector.broadcast %add3A_61 : i32 to vector<384x384xi32>
    %add3A_63 = arith.addi %iota3A_60, %add3A_62 : vector<384x384xi32>
    %eq3A_64 = vector.broadcast %slice3A_58 : vector<1x384xf32> to vector<384x384xf32>
    %eq3A_65 = vector.broadcast %transpose3A_50 : vector<384x1xf32> to vector<384x384xf32>
    %eq3A_66 = arith.cmpf oeq, %eq3A_64, %eq3A_65 : vector<384x384xf32>
    %lt3A_67 = arith.cmpi slt, %iota3A_59, %add3A_63 : vector<384x384xi32>
    %and3A_68 = arith.andi %eq3A_66, %lt3A_67 : vector<384x384xi1>
    %convert_element_type3A_69 = arith.extui %and3A_68 : vector<384x384xi1> to vector<384x384xi32>
    %reduce_sum3A_70 = arith.constant dense<0> : vector<384xi32>
    %reduce_sum3A_71 = vector.multi_reduction <add>, %convert_element_type3A_69, %reduce_sum3A_70 [1] : vector<384x384xi32> to vector<384xi32>
    %broadcast_in_dim3A_72 = vector.shape_cast %reduce_sum3A_71 : vector<384xi32> to vector<384x1xi32>
    %slice3A_73 = vector.extract_strided_slice %dot_general3A_48 {offsets = [0, 0], sizes = [1, 1], strides = [1, 1]} : vector<1x2048xf32> to vector<1x1xf32>
    %le3A_74 = vector.broadcast %slice3A_73 : vector<1x1xf32> to vector<384x1xf32>
    %le3A_75 = arith.cmpf ole, %le3A_74, %transpose3A_50 : vector<384x1xf32>
    %convert_element_type3A_76 = arith.extui %le3A_75 : vector<384x1xi1> to vector<384x1xi32>
    %add3A_77 = arith.addi %broadcast_in_dim3A_57, %broadcast_in_dim3A_72 : vector<384x1xi32>
    %sub3A_78 = arith.subi %add3A_77, %convert_element_type3A_76 : vector<384x1xi32>
    %add3A_79 = arith.constant 1 : i32
    %add3A_80 = vector.broadcast %add3A_79 : i32 to vector<384x1xi32>
    %add3A_81 = arith.addi %sub3A_78, %add3A_80 : vector<384x1xi32>
    %transpose3A_82 = tpu.transpose %add3A_81, [1, 0] : vector<384x1xi32> -> vector<1x384xi32>
    %swap3A_83 = arith.constant 1 : index
    %swap3A_84 = arith.constant 0 : index
    %swap3A_85 = arith.constant 0 : index
    %swap3A_86 = vector.load %arg3[%swap3A_83, %swap3A_84, %swap3A_85] : memref<8x1x384xi32, #tpu.memory_space<vmem>>, vector<1x1x384xi32>
    %swap3A_87 = vector.shape_cast %swap3A_86 : vector<1x1x384xi32> to vector<1x384xi32>
    %swap3A_88 = vector.shape_cast %transpose3A_82 : vector<1x384xi32> to vector<1x1x384xi32>
    tpu.vector_store %arg3[%swap3A_83, %swap3A_84, %swap3A_85], %swap3A_88 {strides = array<i32>} : memref<8x1x384xi32, #tpu.memory_space<vmem>>, vector<1x1x384xi32>,
    %get3A_89 = arith.constant 2 : index
    %get3A_90 = arith.constant 0 : index
    %get3A_91 = arith.constant 0 : index
    %get3A_92 = vector.load %arg1[%get3A_89, %get3A_90, %get3A_91] : memref<8x1x128xf32, #tpu.memory_space<vmem>>, vector<1x1x128xf32>
    %get3A_93 = vector.shape_cast %get3A_92 : vector<1x1x128xf32> to vector<1x128xf32>
    %get3A_94 = arith.constant 2 : index
    %get3A_95 = arith.constant 0 : index
    %get3A_96 = arith.constant 0 : index
    %get3A_97 = vector.load %arg2[%get3A_94, %get3A_95, %get3A_96] : memref<8x2048x128xf32, #tpu.memory_space<vmem>>, vector<1x2048x128xf32>
    %get3A_98 = vector.shape_cast %get3A_97 : vector<1x2048x128xf32> to vector<2048x128xf32>
    %dot_general3A_99 = arith.constant dense<0.000000e+00> : vector<1x2048xf32>
    %dot_general3A_100 = tpu.matmul %get3A_93, %get3A_98, %dot_general3A_99 {dimension_numbers = #tpu.dot_dimension_numbers<[1], [1], [0], [0], [0, 0, 1, 0], [], []>, transpose_lhs_hint = false} : vector<1x128xf32>, vector<2048x128xf32>, vector<1x2048xf32> -> vector<1x2048xf32>
    %slice3A_101 = vector.extract_strided_slice %dot_general3A_100 {offsets = [0, 1], sizes = [1, 384], strides = [1, 1]} : vector<1x2048xf32> to vector<1x384xf32>
    %transpose3A_102 = tpu.transpose %slice3A_101, [1, 0] : vector<1x384xf32> -> vector<384x1xf32>
    %lt3A_103 = vector.broadcast %dot_general3A_100 : vector<1x2048xf32> to vector<384x2048xf32>
    %lt3A_104 = vector.broadcast %transpose3A_102 : vector<384x1xf32> to vector<384x2048xf32>
    %lt3A_105 = arith.cmpf olt, %lt3A_103, %lt3A_104 : vector<384x2048xf32>
    %convert_element_type3A_106 = arith.extui %lt3A_105 : vector<384x2048xi1> to vector<384x2048xi32>
    %reduce_sum3A_107 = arith.constant dense<0> : vector<384xi32>
    %reduce_sum3A_108 = vector.multi_reduction <add>, %convert_element_type3A_106, %reduce_sum3A_107 [1] : vector<384x2048xi32> to vector<384xi32>
    %broadcast_in_dim3A_109 = vector.shape_cast %reduce_sum3A_108 : vector<384xi32> to vector<384x1xi32>
    %slice3A_110 = vector.extract_strided_slice %dot_general3A_100 {offsets = [0, 0], sizes = [1, 384], strides = [1, 1]} : vector<1x2048xf32> to vector<1x384xf32>
    %iota3A_111 = tpu.iota {dimensions = array<i32: 1>} : vector<384x384xi32>
    %iota3A_112 = tpu.iota {dimensions = array<i32: 0>} : vector<384x384xi32>
    %add3A_113 = arith.constant 1 : i32
    %add3A_114 = vector.broadcast %add3A_113 : i32 to vector<384x384xi32>
    %add3A_115 = arith.addi %iota3A_112, %add3A_114 : vector<384x384xi32>
    %eq3A_116 = vector.broadcast %slice3A_110 : vector<1x384xf32> to vector<384x384xf32>
    %eq3A_117 = vector.broadcast %transpose3A_102 : vector<384x1xf32> to vector<384x384xf32>
    %eq3A_118 = arith.cmpf oeq, %eq3A_116, %eq3A_117 : vector<384x384xf32>
    %lt3A_119 = arith.cmpi slt, %iota3A_111, %add3A_115 : vector<384x384xi32>
    %and3A_120 = arith.andi %eq3A_118, %lt3A_119 : vector<384x384xi1>
    %convert_element_type3A_121 = arith.extui %and3A_120 : vector<384x384xi1> to vector<384x384xi32>
    %reduce_sum3A_122 = arith.constant dense<0> : vector<384xi32>
    %reduce_sum3A_123 = vector.multi_reduction <add>, %convert_element_type3A_121, %reduce_sum3A_122 [1] : vector<384x384xi32> to vector<384xi32>
    %broadcast_in_dim3A_124 = vector.shape_cast %reduce_sum3A_123 : vector<384xi32> to vector<384x1xi32>
    %slice3A_125 = vector.extract_strided_slice %dot_general3A_100 {offsets = [0, 0], sizes = [1, 1], strides = [1, 1]} : vector<1x2048xf32> to vector<1x1xf32>
    %le3A_126 = vector.broadcast %slice3A_125 : vector<1x1xf32> to vector<384x1xf32>
    %le3A_127 = arith.cmpf ole, %le3A_126, %transpose3A_102 : vector<384x1xf32>
    %convert_element_type3A_128 = arith.extui %le3A_127 : vector<384x1xi1> to vector<384x1xi32>
    %add3A_129 = arith.addi %broadcast_in_dim3A_109, %broadcast_in_dim3A_124 : vector<384x1xi32>
    %sub3A_130 = arith.subi %add3A_129, %convert_element_type3A_128 : vector<384x1xi32>
    %add3A_131 = arith.constant 1 : i32
    %add3A_132 = vector.broadcast %add3A_131 : i32 to vector<384x1xi32>
    %add3A_133 = arith.addi %sub3A_130, %add3A_132 : vector<384x1xi32>
    %transpose3A_134 = tpu.transpose %add3A_133, [1, 0] : vector<384x1xi32> -> vector<1x384xi32>
    %swap3A_135 = arith.constant 2 : index
    %swap3A_136 = arith.constant 0 : index
    %swap3A_137 = arith.constant 0 : index
    %swap3A_138 = vector.load %arg3[%swap3A_135, %swap3A_136, %swap3A_137] : memref<8x1x384xi32, #tpu.memory_space<vmem>>, vector<1x1x384xi32>
    %swap3A_139 = vector.shape_cast %swap3A_138 : vector<1x1x384xi32> to vector<1x384xi32>
    %swap3A_140 = vector.shape_cast %transpose3A_134 : vector<1x384xi32> to vector<1x1x384xi32>
    tpu.vector_store %arg3[%swap3A_135, %swap3A_136, %swap3A_137], %swap3A_140 {strides = array<i32>} : memref<8x1x384xi32, #tpu.memory_space<vmem>>, vector<1x1x384xi32>,
    %get3A_141 = arith.constant 3 : index
    %get3A_142 = arith.constant 0 : index
    %get3A_143 = arith.constant 0 : index
    %get3A_144 = vector.load %arg1[%get3A_141, %get3A_142, %get3A_143] : memref<8x1x128xf32, #tpu.memory_space<vmem>>, vector<1x1x128xf32>
    %get3A_145 = vector.shape_cast %get3A_144 : vector<1x1x128xf32> to vector<1x128xf32>
    %get3A_146 = arith.constant 3 : index
    %get3A_147 = arith.constant 0 : index
    %get3A_148 = arith.constant 0 : index
    %get3A_149 = vector.load %arg2[%get3A_146, %get3A_147, %get3A_148] : memref<8x2048x128xf32, #tpu.memory_space<vmem>>, vector<1x2048x128xf32>
    %get3A_150 = vector.shape_cast %get3A_149 : vector<1x2048x128xf32> to vector<2048x128xf32>
    %dot_general3A_151 = arith.constant dense<0.000000e+00> : vector<1x2048xf32>
    %dot_general3A_152 = tpu.matmul %get3A_145, %get3A_150, %dot_general3A_151 {dimension_numbers = #tpu.dot_dimension_numbers<[1], [1], [0], [0], [0, 0, 1, 0], [], []>, transpose_lhs_hint = false} : vector<1x128xf32>, vector<2048x128xf32>, vector<1x2048xf32> -> vector<1x2048xf32>
    %slice3A_153 = vector.extract_strided_slice %dot_general3A_152 {offsets = [0, 1], sizes = [1, 384], strides = [1, 1]} : vector<1x2048xf32> to vector<1x384xf32>
    %transpose3A_154 = tpu.transpose %slice3A_153, [1, 0] : vector<1x384xf32> -> vector<384x1xf32>
    %lt3A_155 = vector.broadcast %dot_general3A_152 : vector<1x2048xf32> to vector<384x2048xf32>
    %lt3A_156 = vector.broadcast %transpose3A_154 : vector<384x1xf32> to vector<384x2048xf32>
    %lt3A_157 = arith.cmpf olt, %lt3A_155, %lt3A_156 : vector<384x2048xf32>
    %convert_element_type3A_158 = arith.extui %lt3A_157 : vector<384x2048xi1> to vector<384x2048xi32>
    %reduce_sum3A_159 = arith.constant dense<0> : vector<384xi32>
    %reduce_sum3A_160 = vector.multi_reduction <add>, %convert_element_type3A_158, %reduce_sum3A_159 [1] : vector<384x2048xi32> to vector<384xi32>
    %broadcast_in_dim3A_161 = vector.shape_cast %reduce_sum3A_160 : vector<384xi32> to vector<384x1xi32>
    %slice3A_162 = vector.extract_strided_slice %dot_general3A_152 {offsets = [0, 0], sizes = [1, 384], strides = [1, 1]} : vector<1x2048xf32> to vector<1x384xf32>
    %iota3A_163 = tpu.iota {dimensions = array<i32: 1>} : vector<384x384xi32>
    %iota3A_164 = tpu.iota {dimensions = array<i32: 0>} : vector<384x384xi32>
    %add3A_165 = arith.constant 1 : i32
    %add3A_166 = vector.broadcast %add3A_165 : i32 to vector<384x384xi32>
    %add3A_167 = arith.addi %iota3A_164, %add3A_166 : vector<384x384xi32>
    %eq3A_168 = vector.broadcast %slice3A_162 : vector<1x384xf32> to vector<384x384xf32>
    %eq3A_169 = vector.broadcast %transpose3A_154 : vector<384x1xf32> to vector<384x384xf32>
    %eq3A_170 = arith.cmpf oeq, %eq3A_168, %eq3A_169 : vector<384x384xf32>
    %lt3A_171 = arith.cmpi slt, %iota3A_163, %add3A_167 : vector<384x384xi32>
    %and3A_172 = arith.andi %eq3A_170, %lt3A_171 : vector<384x384xi1>
    %convert_element_type3A_173 = arith.extui %and3A_172 : vector<384x384xi1> to vector<384x384xi32>
    %reduce_sum3A_174 = arith.constant dense<0> : vector<384xi32>
    %reduce_sum3A_175 = vector.multi_reduction <add>, %convert_element_type3A_173, %reduce_sum3A_174 [1] : vector<384x384xi32> to vector<384xi32>
    %broadcast_in_dim3A_176 = vector.shape_cast %reduce_sum3A_175 : vector<384xi32> to vector<384x1xi32>
    %slice3A_177 = vector.extract_strided_slice %dot_general3A_152 {offsets = [0, 0], sizes = [1, 1], strides = [1, 1]} : vector<1x2048xf32> to vector<1x1xf32>
    %le3A_178 = vector.broadcast %slice3A_177 : vector<1x1xf32> to vector<384x1xf32>
    %le3A_179 = arith.cmpf ole, %le3A_178, %transpose3A_154 : vector<384x1xf32>
    %convert_element_type3A_180 = arith.extui %le3A_179 : vector<384x1xi1> to vector<384x1xi32>
    %add3A_181 = arith.addi %broadcast_in_dim3A_161, %broadcast_in_dim3A_176 : vector<384x1xi32>
    %sub3A_182 = arith.subi %add3A_181, %convert_element_type3A_180 : vector<384x1xi32>
    %add3A_183 = arith.constant 1 : i32
    %add3A_184 = vector.broadcast %add3A_183 : i32 to vector<384x1xi32>
    %add3A_185 = arith.addi %sub3A_182, %add3A_184 : vector<384x1xi32>
    %transpose3A_186 = tpu.transpose %add3A_185, [1, 0] : vector<384x1xi32> -> vector<1x384xi32>
    %swap3A_187 = arith.constant 3 : index
    %swap3A_188 = arith.constant 0 : index
    %swap3A_189 = arith.constant 0 : index
    %swap3A_190 = vector.load %arg3[%swap3A_187, %swap3A_188, %swap3A_189] : memref<8x1x384xi32, #tpu.memory_space<vmem>>, vector<1x1x384xi32>
    %swap3A_191 = vector.shape_cast %swap3A_190 : vector<1x1x384xi32> to vector<1x384xi32>
    %swap3A_192 = vector.shape_cast %transpose3A_186 : vector<1x384xi32> to vector<1x1x384xi32>
    tpu.vector_store %arg3[%swap3A_187, %swap3A_188, %swap3A_189], %swap3A_192 {strides = array<i32>} : memref<8x1x384xi32, #tpu.memory_space<vmem>>, vector<1x1x384xi32>,
    %get3A_193 = arith.constant 4 : index
    %get3A_194 = arith.constant 0 : index
    %get3A_195 = arith.constant 0 : index
    %get3A_196 = vector.load %arg1[%get3A_193, %get3A_194, %get3A_195] : memref<8x1x128xf32, #tpu.memory_space<vmem>>, vector<1x1x128xf32>
    %get3A_197 = vector.shape_cast %get3A_196 : vector<1x1x128xf32> to vector<1x128xf32>
    %get3A_198 = arith.constant 4 : index
    %get3A_199 = arith.constant 0 : index
    %get3A_200 = arith.constant 0 : index
    %get3A_201 = vector.load %arg2[%get3A_198, %get3A_199, %get3A_200] : memref<8x2048x128xf32, #tpu.memory_space<vmem>>, vector<1x2048x128xf32>
    %get3A_202 = vector.shape_cast %get3A_201 : vector<1x2048x128xf32> to vector<2048x128xf32>
    %dot_general3A_203 = arith.constant dense<0.000000e+00> : vector<1x2048xf32>
    %dot_general3A_204 = tpu.matmul %get3A_197, %get3A_202, %dot_general3A_203 {dimension_numbers = #tpu.dot_dimension_numbers<[1], [1], [0], [0], [0, 0, 1, 0], [], []>, transpose_lhs_hint = false} : vector<1x128xf32>, vector<2048x128xf32>, vector<1x2048xf32> -> vector<1x2048xf32>
    %slice3A_205 = vector.extract_strided_slice %dot_general3A_204 {offsets = [0, 1], sizes = [1, 384], strides = [1, 1]} : vector<1x2048xf32> to vector<1x384xf32>
    %transpose3A_206 = tpu.transpose %slice3A_205, [1, 0] : vector<1x384xf32> -> vector<384x1xf32>
    %lt3A_207 = vector.broadcast %dot_general3A_204 : vector<1x2048xf32> to vector<384x2048xf32>
    %lt3A_208 = vector.broadcast %transpose3A_206 : vector<384x1xf32> to vector<384x2048xf32>
    %lt3A_209 = arith.cmpf olt, %lt3A_207, %lt3A_208 : vector<384x2048xf32>
    %convert_element_type3A_210 = arith.extui %lt3A_209 : vector<384x2048xi1> to vector<384x2048xi32>
    %reduce_sum3A_211 = arith.constant dense<0> : vector<384xi32>
    %reduce_sum3A_212 = vector.multi_reduction <add>, %convert_element_type3A_210, %reduce_sum3A_211 [1] : vector<384x2048xi32> to vector<384xi32>
    %broadcast_in_dim3A_213 = vector.shape_cast %reduce_sum3A_212 : vector<384xi32> to vector<384x1xi32>
    %slice3A_214 = vector.extract_strided_slice %dot_general3A_204 {offsets = [0, 0], sizes = [1, 384], strides = [1, 1]} : vector<1x2048xf32> to vector<1x384xf32>
    %iota3A_215 = tpu.iota {dimensions = array<i32: 1>} : vector<384x384xi32>
    %iota3A_216 = tpu.iota {dimensions = array<i32: 0>} : vector<384x384xi32>
    %add3A_217 = arith.constant 1 : i32
    %add3A_218 = vector.broadcast %add3A_217 : i32 to vector<384x384xi32>
    %add3A_219 = arith.addi %iota3A_216, %add3A_218 : vector<384x384xi32>
    %eq3A_220 = vector.broadcast %slice3A_214 : vector<1x384xf32> to vector<384x384xf32>
    %eq3A_221 = vector.broadcast %transpose3A_206 : vector<384x1xf32> to vector<384x384xf32>
    %eq3A_222 = arith.cmpf oeq, %eq3A_220, %eq3A_221 : vector<384x384xf32>
    %lt3A_223 = arith.cmpi slt, %iota3A_215, %add3A_219 : vector<384x384xi32>
    %and3A_224 = arith.andi %eq3A_222, %lt3A_223 : vector<384x384xi1>
    %convert_element_type3A_225 = arith.extui %and3A_224 : vector<384x384xi1> to vector<384x384xi32>
    %reduce_sum3A_226 = arith.constant dense<0> : vector<384xi32>
    %reduce_sum3A_227 = vector.multi_reduction <add>, %convert_element_type3A_225, %reduce_sum3A_226 [1] : vector<384x384xi32> to vector<384xi32>
    %broadcast_in_dim3A_228 = vector.shape_cast %reduce_sum3A_227 : vector<384xi32> to vector<384x1xi32>
    %slice3A_229 = vector.extract_strided_slice %dot_general3A_204 {offsets = [0, 0], sizes = [1, 1], strides = [1, 1]} : vector<1x2048xf32> to vector<1x1xf32>
    %le3A_230 = vector.broadcast %slice3A_229 : vector<1x1xf32> to vector<384x1xf32>
    %le3A_231 = arith.cmpf ole, %le3A_230, %transpose3A_206 : vector<384x1xf32>
    %convert_element_type3A_232 = arith.extui %le3A_231 : vector<384x1xi1> to vector<384x1xi32>
    %add3A_233 = arith.addi %broadcast_in_dim3A_213, %broadcast_in_dim3A_228 : vector<384x1xi32>
    %sub3A_234 = arith.subi %add3A_233, %convert_element_type3A_232 : vector<384x1xi32>
    %add3A_235 = arith.constant 1 : i32
    %add3A_236 = vector.broadcast %add3A_235 : i32 to vector<384x1xi32>
    %add3A_237 = arith.addi %sub3A_234, %add3A_236 : vector<384x1xi32>
    %transpose3A_238 = tpu.transpose %add3A_237, [1, 0] : vector<384x1xi32> -> vector<1x384xi32>
    %swap3A_239 = arith.constant 4 : index
    %swap3A_240 = arith.constant 0 : index
    %swap3A_241 = arith.constant 0 : index
    %swap3A_242 = vector.load %arg3[%swap3A_239, %swap3A_240, %swap3A_241] : memref<8x1x384xi32, #tpu.memory_space<vmem>>, vector<1x1x384xi32>
    %swap3A_243 = vector.shape_cast %swap3A_242 : vector<1x1x384xi32> to vector<1x384xi32>
    %swap3A_244 = vector.shape_cast %transpose3A_238 : vector<1x384xi32> to vector<1x1x384xi32>
    tpu.vector_store %arg3[%swap3A_239, %swap3A_240, %swap3A_241], %swap3A_244 {strides = array<i32>} : memref<8x1x384xi32, #tpu.memory_space<vmem>>, vector<1x1x384xi32>,
    %get3A_245 = arith.constant 5 : index
    %get3A_246 = arith.constant 0 : index
    %get3A_247 = arith.constant 0 : index
    %get3A_248 = vector.load %arg1[%get3A_245, %get3A_246, %get3A_247] : memref<8x1x128xf32, #tpu.memory_space<vmem>>, vector<1x1x128xf32>
    %get3A_249 = vector.shape_cast %get3A_248 : vector<1x1x128xf32> to vector<1x128xf32>
    %get3A_250 = arith.constant 5 : index
    %get3A_251 = arith.constant 0 : index
    %get3A_252 = arith.constant 0 : index
    %get3A_253 = vector.load %arg2[%get3A_250, %get3A_251, %get3A_252] : memref<8x2048x128xf32, #tpu.memory_space<vmem>>, vector<1x2048x128xf32>
    %get3A_254 = vector.shape_cast %get3A_253 : vector<1x2048x128xf32> to vector<2048x128xf32>
    %dot_general3A_255 = arith.constant dense<0.000000e+00> : vector<1x2048xf32>
    %dot_general3A_256 = tpu.matmul %get3A_249, %get3A_254, %dot_general3A_255 {dimension_numbers = #tpu.dot_dimension_numbers<[1], [1], [0], [0], [0, 0, 1, 0], [], []>, transpose_lhs_hint = false} : vector<1x128xf32>, vector<2048x128xf32>, vector<1x2048xf32> -> vector<1x2048xf32>
    %slice3A_257 = vector.extract_strided_slice %dot_general3A_256 {offsets = [0, 1], sizes = [1, 384], strides = [1, 1]} : vector<1x2048xf32> to vector<1x384xf32>
    %transpose3A_258 = tpu.transpose %slice3A_257, [1, 0] : vector<1x384xf32> -> vector<384x1xf32>
    %lt3A_259 = vector.broadcast %dot_general3A_256 : vector<1x2048xf32> to vector<384x2048xf32>
    %lt3A_260 = vector.broadcast %transpose3A_258 : vector<384x1xf32> to vector<384x2048xf32>
    %lt3A_261 = arith.cmpf olt, %lt3A_259, %lt3A_260 : vector<384x2048xf32>
    %convert_element_type3A_262 = arith.extui %lt3A_261 : vector<384x2048xi1> to vector<384x2048xi32>
    %reduce_sum3A_263 = arith.constant dense<0> : vector<384xi32>
    %reduce_sum3A_264 = vector.multi_reduction <add>, %convert_element_type3A_262, %reduce_sum3A_263 [1] : vector<384x2048xi32> to vector<384xi32>
    %broadcast_in_dim3A_265 = vector.shape_cast %reduce_sum3A_264 : vector<384xi32> to vector<384x1xi32>
    %slice3A_266 = vector.extract_strided_slice %dot_general3A_256 {offsets = [0, 0], sizes = [1, 384], strides = [1, 1]} : vector<1x2048xf32> to vector<1x384xf32>
    %iota3A_267 = tpu.iota {dimensions = array<i32: 1>} : vector<384x384xi32>
    %iota3A_268 = tpu.iota {dimensions = array<i32: 0>} : vector<384x384xi32>
    %add3A_269 = arith.constant 1 : i32
    %add3A_270 = vector.broadcast %add3A_269 : i32 to vector<384x384xi32>
    %add3A_271 = arith.addi %iota3A_268, %add3A_270 : vector<384x384xi32>
    %eq3A_272 = vector.broadcast %slice3A_266 : vector<1x384xf32> to vector<384x384xf32>
    %eq3A_273 = vector.broadcast %transpose3A_258 : vector<384x1xf32> to vector<384x384xf32>
    %eq3A_274 = arith.cmpf oeq, %eq3A_272, %eq3A_273 : vector<384x384xf32>
    %lt3A_275 = arith.cmpi slt, %iota3A_267, %add3A_271 : vector<384x384xi32>
    %and3A_276 = arith.andi %eq3A_274, %lt3A_275 : vector<384x384xi1>
    %convert_element_type3A_277 = arith.extui %and3A_276 : vector<384x384xi1> to vector<384x384xi32>
    %reduce_sum3A_278 = arith.constant dense<0> : vector<384xi32>
    %reduce_sum3A_279 = vector.multi_reduction <add>, %convert_element_type3A_277, %reduce_sum3A_278 [1] : vector<384x384xi32> to vector<384xi32>
    %broadcast_in_dim3A_280 = vector.shape_cast %reduce_sum3A_279 : vector<384xi32> to vector<384x1xi32>
    %slice3A_281 = vector.extract_strided_slice %dot_general3A_256 {offsets = [0, 0], sizes = [1, 1], strides = [1, 1]} : vector<1x2048xf32> to vector<1x1xf32>
    %le3A_282 = vector.broadcast %slice3A_281 : vector<1x1xf32> to vector<384x1xf32>
    %le3A_283 = arith.cmpf ole, %le3A_282, %transpose3A_258 : vector<384x1xf32>
    %convert_element_type3A_284 = arith.extui %le3A_283 : vector<384x1xi1> to vector<384x1xi32>
    %add3A_285 = arith.addi %broadcast_in_dim3A_265, %broadcast_in_dim3A_280 : vector<384x1xi32>
    %sub3A_286 = arith.subi %add3A_285, %convert_element_type3A_284 : vector<384x1xi32>
    %add3A_287 = arith.constant 1 : i32
    %add3A_288 = vector.broadcast %add3A_287 : i32 to vector<384x1xi32>
    %add3A_289 = arith.addi %sub3A_286, %add3A_288 : vector<384x1xi32>
    %transpose3A_290 = tpu.transpose %add3A_289, [1, 0] : vector<384x1xi32> -> vector<1x384xi32>
    %swap3A_291 = arith.constant 5 : index
    %swap3A_292 = arith.constant 0 : index
    %swap3A_293 = arith.constant 0 : index
    %swap3A_294 = vector.load %arg3[%swap3A_291, %swap3A_292, %swap3A_293] : memref<8x1x384xi32, #tpu.memory_space<vmem>>, vector<1x1x384xi32>
    %swap3A_295 = vector.shape_cast %swap3A_294 : vector<1x1x384xi32> to vector<1x384xi32>
    %swap3A_296 = vector.shape_cast %transpose3A_290 : vector<1x384xi32> to vector<1x1x384xi32>
    tpu.vector_store %arg3[%swap3A_291, %swap3A_292, %swap3A_293], %swap3A_296 {strides = array<i32>} : memref<8x1x384xi32, #tpu.memory_space<vmem>>, vector<1x1x384xi32>,
    %get3A_297 = arith.constant 6 : index
    %get3A_298 = arith.constant 0 : index
    %get3A_299 = arith.constant 0 : index
    %get3A_300 = vector.load %arg1[%get3A_297, %get3A_298, %get3A_299] : memref<8x1x128xf32, #tpu.memory_space<vmem>>, vector<1x1x128xf32>
    %get3A_301 = vector.shape_cast %get3A_300 : vector<1x1x128xf32> to vector<1x128xf32>
    %get3A_302 = arith.constant 6 : index
    %get3A_303 = arith.constant 0 : index
    %get3A_304 = arith.constant 0 : index
    %get3A_305 = vector.load %arg2[%get3A_302, %get3A_303, %get3A_304] : memref<8x2048x128xf32, #tpu.memory_space<vmem>>, vector<1x2048x128xf32>
    %get3A_306 = vector.shape_cast %get3A_305 : vector<1x2048x128xf32> to vector<2048x128xf32>
    %dot_general3A_307 = arith.constant dense<0.000000e+00> : vector<1x2048xf32>
    %dot_general3A_308 = tpu.matmul %get3A_301, %get3A_306, %dot_general3A_307 {dimension_numbers = #tpu.dot_dimension_numbers<[1], [1], [0], [0], [0, 0, 1, 0], [], []>, transpose_lhs_hint = false} : vector<1x128xf32>, vector<2048x128xf32>, vector<1x2048xf32> -> vector<1x2048xf32>
    %slice3A_309 = vector.extract_strided_slice %dot_general3A_308 {offsets = [0, 1], sizes = [1, 384], strides = [1, 1]} : vector<1x2048xf32> to vector<1x384xf32>
    %transpose3A_310 = tpu.transpose %slice3A_309, [1, 0] : vector<1x384xf32> -> vector<384x1xf32>
    %lt3A_311 = vector.broadcast %dot_general3A_308 : vector<1x2048xf32> to vector<384x2048xf32>
    %lt3A_312 = vector.broadcast %transpose3A_310 : vector<384x1xf32> to vector<384x2048xf32>
    %lt3A_313 = arith.cmpf olt, %lt3A_311, %lt3A_312 : vector<384x2048xf32>
    %convert_element_type3A_314 = arith.extui %lt3A_313 : vector<384x2048xi1> to vector<384x2048xi32>
    %reduce_sum3A_315 = arith.constant dense<0> : vector<384xi32>
    %reduce_sum3A_316 = vector.multi_reduction <add>, %convert_element_type3A_314, %reduce_sum3A_315 [1] : vector<384x2048xi32> to vector<384xi32>
    %broadcast_in_dim3A_317 = vector.shape_cast %reduce_sum3A_316 : vector<384xi32> to vector<384x1xi32>
    %slice3A_318 = vector.extract_strided_slice %dot_general3A_308 {offsets = [0, 0], sizes = [1, 384], strides = [1, 1]} : vector<1x2048xf32> to vector<1x384xf32>
    %iota3A_319 = tpu.iota {dimensions = array<i32: 1>} : vector<384x384xi32>
    %iota3A_320 = tpu.iota {dimensions = array<i32: 0>} : vector<384x384xi32>
    %add3A_321 = arith.constant 1 : i32
    %add3A_322 = vector.broadcast %add3A_321 : i32 to vector<384x384xi32>
    %add3A_323 = arith.addi %iota3A_320, %add3A_322 : vector<384x384xi32>
    %eq3A_324 = vector.broadcast %slice3A_318 : vector<1x384xf32> to vector<384x384xf32>
    %eq3A_325 = vector.broadcast %transpose3A_310 : vector<384x1xf32> to vector<384x384xf32>
    %eq3A_326 = arith.cmpf oeq, %eq3A_324, %eq3A_325 : vector<384x384xf32>
    %lt3A_327 = arith.cmpi slt, %iota3A_319, %add3A_323 : vector<384x384xi32>
    %and3A_328 = arith.andi %eq3A_326, %lt3A_327 : vector<384x384xi1>
    %convert_element_type3A_329 = arith.extui %and3A_328 : vector<384x384xi1> to vector<384x384xi32>
    %reduce_sum3A_330 = arith.constant dense<0> : vector<384xi32>
    %reduce_sum3A_331 = vector.multi_reduction <add>, %convert_element_type3A_329, %reduce_sum3A_330 [1] : vector<384x384xi32> to vector<384xi32>
    %broadcast_in_dim3A_332 = vector.shape_cast %reduce_sum3A_331 : vector<384xi32> to vector<384x1xi32>
    %slice3A_333 = vector.extract_strided_slice %dot_general3A_308 {offsets = [0, 0], sizes = [1, 1], strides = [1, 1]} : vector<1x2048xf32> to vector<1x1xf32>
    %le3A_334 = vector.broadcast %slice3A_333 : vector<1x1xf32> to vector<384x1xf32>
    %le3A_335 = arith.cmpf ole, %le3A_334, %transpose3A_310 : vector<384x1xf32>
    %convert_element_type3A_336 = arith.extui %le3A_335 : vector<384x1xi1> to vector<384x1xi32>
    %add3A_337 = arith.addi %broadcast_in_dim3A_317, %broadcast_in_dim3A_332 : vector<384x1xi32>
    %sub3A_338 = arith.subi %add3A_337, %convert_element_type3A_336 : vector<384x1xi32>
    %add3A_339 = arith.constant 1 : i32
    %add3A_340 = vector.broadcast %add3A_339 : i32 to vector<384x1xi32>
    %add3A_341 = arith.addi %sub3A_338, %add3A_340 : vector<384x1xi32>
    %transpose3A_342 = tpu.transpose %add3A_341, [1, 0] : vector<384x1xi32> -> vector<1x384xi32>
    %swap3A_343 = arith.constant 6 : index
    %swap3A_344 = arith.constant 0 : index
    %swap3A_345 = arith.constant 0 : index
    %swap3A_346 = vector.load %arg3[%swap3A_343, %swap3A_344, %swap3A_345] : memref<8x1x384xi32, #tpu.memory_space<vmem>>, vector<1x1x384xi32>
    %swap3A_347 = vector.shape_cast %swap3A_346 : vector<1x1x384xi32> to vector<1x384xi32>
    %swap3A_348 = vector.shape_cast %transpose3A_342 : vector<1x384xi32> to vector<1x1x384xi32>
    tpu.vector_store %arg3[%swap3A_343, %swap3A_344, %swap3A_345], %swap3A_348 {strides = array<i32>} : memref<8x1x384xi32, #tpu.memory_space<vmem>>, vector<1x1x384xi32>,
    %get3A_349 = arith.constant 7 : index
    %get3A_350 = arith.constant 0 : index
    %get3A_351 = arith.constant 0 : index
    %get3A_352 = vector.load %arg1[%get3A_349, %get3A_350, %get3A_351] : memref<8x1x128xf32, #tpu.memory_space<vmem>>, vector<1x1x128xf32>
    %get3A_353 = vector.shape_cast %get3A_352 : vector<1x1x128xf32> to vector<1x128xf32>
    %get3A_354 = arith.constant 7 : index
    %get3A_355 = arith.constant 0 : index
    %get3A_356 = arith.constant 0 : index
    %get3A_357 = vector.load %arg2[%get3A_354, %get3A_355, %get3A_356] : memref<8x2048x128xf32, #tpu.memory_space<vmem>>, vector<1x2048x128xf32>
    %get3A_358 = vector.shape_cast %get3A_357 : vector<1x2048x128xf32> to vector<2048x128xf32>
    %dot_general3A_359 = arith.constant dense<0.000000e+00> : vector<1x2048xf32>
    %dot_general3A_360 = tpu.matmul %get3A_353, %get3A_358, %dot_general3A_359 {dimension_numbers = #tpu.dot_dimension_numbers<[1], [1], [0], [0], [0, 0, 1, 0], [], []>, transpose_lhs_hint = false} : vector<1x128xf32>, vector<2048x128xf32>, vector<1x2048xf32> -> vector<1x2048xf32>
    %slice3A_361 = vector.extract_strided_slice %dot_general3A_360 {offsets = [0, 1], sizes = [1, 384], strides = [1, 1]} : vector<1x2048xf32> to vector<1x384xf32>
    %transpose3A_362 = tpu.transpose %slice3A_361, [1, 0] : vector<1x384xf32> -> vector<384x1xf32>
    %lt3A_363 = vector.broadcast %dot_general3A_360 : vector<1x2048xf32> to vector<384x2048xf32>
    %lt3A_364 = vector.broadcast %transpose3A_362 : vector<384x1xf32> to vector<384x2048xf32>
    %lt3A_365 = arith.cmpf olt, %lt3A_363, %lt3A_364 : vector<384x2048xf32>
    %convert_element_type3A_366 = arith.extui %lt3A_365 : vector<384x2048xi1> to vector<384x2048xi32>
    %reduce_sum3A_367 = arith.constant dense<0> : vector<384xi32>
    %reduce_sum3A_368 = vector.multi_reduction <add>, %convert_element_type3A_366, %reduce_sum3A_367 [1] : vector<384x2048xi32> to vector<384xi32>
    %broadcast_in_dim3A_369 = vector.shape_cast %reduce_sum3A_368 : vector<384xi32> to vector<384x1xi32>
    %slice3A_370 = vector.extract_strided_slice %dot_general3A_360 {offsets = [0, 0], sizes = [1, 384], strides = [1, 1]} : vector<1x2048xf32> to vector<1x384xf32>
    %iota3A_371 = tpu.iota {dimensions = array<i32: 1>} : vector<384x384xi32>
    %iota3A_372 = tpu.iota {dimensions = array<i32: 0>} : vector<384x384xi32>
    %add3A_373 = arith.constant 1 : i32
    %add3A_374 = vector.broadcast %add3A_373 : i32 to vector<384x384xi32>
    %add3A_375 = arith.addi %iota3A_372, %add3A_374 : vector<384x384xi32>
    %eq3A_376 = vector.broadcast %slice3A_370 : vector<1x384xf32> to vector<384x384xf32>
    %eq3A_377 = vector.broadcast %transpose3A_362 : vector<384x1xf32> to vector<384x384xf32>
    %eq3A_378 = arith.cmpf oeq, %eq3A_376, %eq3A_377 : vector<384x384xf32>
    %lt3A_379 = arith.cmpi slt, %iota3A_371, %add3A_375 : vector<384x384xi32>
    %and3A_380 = arith.andi %eq3A_378, %lt3A_379 : vector<384x384xi1>
    %convert_element_type3A_381 = arith.extui %and3A_380 : vector<384x384xi1> to vector<384x384xi32>
    %reduce_sum3A_382 = arith.constant dense<0> : vector<384xi32>
    %reduce_sum3A_383 = vector.multi_reduction <add>, %convert_element_type3A_381, %reduce_sum3A_382 [1] : vector<384x384xi32> to vector<384xi32>
    %broadcast_in_dim3A_384 = vector.shape_cast %reduce_sum3A_383 : vector<384xi32> to vector<384x1xi32>
    %slice3A_385 = vector.extract_strided_slice %dot_general3A_360 {offsets = [0, 0], sizes = [1, 1], strides = [1, 1]} : vector<1x2048xf32> to vector<1x1xf32>
    %le3A_386 = vector.broadcast %slice3A_385 : vector<1x1xf32> to vector<384x1xf32>
    %le3A_387 = arith.cmpf ole, %le3A_386, %transpose3A_362 : vector<384x1xf32>
    %convert_element_type3A_388 = arith.extui %le3A_387 : vector<384x1xi1> to vector<384x1xi32>
    %add3A_389 = arith.addi %broadcast_in_dim3A_369, %broadcast_in_dim3A_384 : vector<384x1xi32>
    %sub3A_390 = arith.subi %add3A_389, %convert_element_type3A_388 : vector<384x1xi32>
    %add3A_391 = arith.constant 1 : i32
    %add3A_392 = vector.broadcast %add3A_391 : i32 to vector<384x1xi32>
    %add3A_393 = arith.addi %sub3A_390, %add3A_392 : vector<384x1xi32>
    %transpose3A_394 = tpu.transpose %add3A_393, [1, 0] : vector<384x1xi32> -> vector<1x384xi32>
    %swap3A_395 = arith.constant 7 : index
    %swap3A_396 = arith.constant 0 : index
    %swap3A_397 = arith.constant 0 : index
    %swap3A_398 = vector.load %arg3[%swap3A_395, %swap3A_396, %swap3A_397] : memref<8x1x384xi32, #tpu.memory_space<vmem>>, vector<1x1x384xi32>
    %swap3A_399 = vector.shape_cast %swap3A_398 : vector<1x1x384xi32> to vector<1x384xi32>
    %swap3A_400 = vector.shape_cast %transpose3A_394 : vector<1x384xi32> to vector<1x1x384xi32>
    tpu.vector_store %arg3[%swap3A_395, %swap3A_396, %swap3A_397], %swap3A_400 {strides = array<i32>} : memref<8x1x384xi32, #tpu.memory_space<vmem>>, vector<1x1x384xi32>,
    return
  }
  func.func @transform_0(%arg0: i32) -> (i32, i32, i32) {
    %c0_i32 = arith.constant 0 : i32
    %c0_i32_0 = arith.constant 0 : i32
    %c0_i32_1 = arith.constant 0 : i32
    return %arg0, %c0_i32, %c0_i32_0 : i32, i32, i32
  }
  func.func @transform_1(%arg0: i32) -> (i32, i32, i32) {
    %c0_i32 = arith.constant 0 : i32
    %c0_i32_0 = arith.constant 0 : i32
    %c0_i32_1 = arith.constant 0 : i32
    return %arg0, %c0_i32, %c0_i32_0 : i32, i32, i32
  }
  func.func @transform_2(%arg0: i32) -> (i32, i32, i32) {
    %c0_i32 = arith.constant 0 : i32
    %c0_i32_0 = arith.constant 0 : i32
    %c0_i32_1 = arith.constant 0 : i32
    return %arg0, %c0_i32, %c0_i32_0 : i32, i32, i32
  }
}

</mosaic_0001>

<sc_bundles>
// kernel: kernel.4.cloned.1.call-start
scs
__scs_entry_jumppad:
0x0: {  	(pc) =	sbr.rel $0x88, $3  }
0x1: {  	(tag) =	ssettag $0x0;
	lr =	simm.s32 $0x1  }
0x2: {  	[smem:$0x3F9F] =	sst lr;
	_ =	strace $0xD0000000  }
0x3: {  	_ = 	snop  }
0x4: {  	_ = 	snop  }
0x5: {  	_ = 	snop  }
0x6: {  	_ = 	snop  }
0x7: {  	_ = 	snop  }
__scs_overlays_trampoline_lowered:
0x8: {  	[smem:$0x3FAE] =	sst s0  }
0x9: {  	[smem:$0x3FAF] =	sst s1  }
0xa: {  	[smem:$0x3FB0] =	sst s2  }
0xb: {  	[smem:$0x3FB1] =	sst s3  }
0xc: {  	[smem:$0x3FB2] =	sst s4  }
0xd: {  	[smem:$0x3FB3] =	sst s5  }
0xe: {  	[smem:$0x3FB4] =	sst s6  }
0xf: {  	[smem:$0x3FB5] =	sst s7  }
0x10: {  	[smem:$0x3FB6] =	sst s8  }
0x11: {  	[smem:$0x3FB7] =	sst s9;
	s0 =	simm.s32 @!p0 $0x0  }
0x12: {  	s1 =	sld [smem:$0x3F9D];
	s0 =	simm.s32 @p0 $0x1  }
0x13: {  	[smem:$0x3FB8] =	sst s0;
	s0 =	simm.s32 @!p1 $0x0  }
0x14: {  	s2 =	sld [smem:$0x3F9C];
	s0 =	simm.s32 @p1 $0x1  }
0x15: {  	[smem:$0x3FB9] =	sst s0;
	s0 =	simm.s32 @!p2 $0x0  }
0x16: {  	s3 =	sld [smem:$0x3FDB];
	s0 =	simm.s32 @p2 $0x1  }
0x17: {  	s4 =	simm.s32 $0x1BF5;
	[smem:$0x3FBB] =	sst s0  }
0x18: {  	s0 =	sld [smem:$0x3F9E];
	_ =	swait.ge [sflag:s4], $0x0  }
0x19: {  	s7 =	sld [smem:$0x3F9F]  }
0x1a: {  	s8 =	sadd.s32 $0xFFFFE003, lr  }
0x1b: {  	s9 =	sadd.s32 $0xFFFFFEF7, lr;
	s5 =	simm.s32 $0xFFFFFFFF;
	p2 =	slt.u32 s8, $0xFFFFF086  }
0x1c: {  	p1 =	slt.u32 s9, $0xF7A;
	s5 =	simm.s32 @!p2 $0x0  }
0x1d: {  	s5 =	simm.s32 @p1 $0x1;
	p0 =	seq.s32 s7, s2  }
0x1e: {  	s7 =	smul.u32 @!p0 $0xF7A, s2;
	p2 =	seq.s32 @!p0 s5, $0x0  }
0x1f: {  	s9 =	smul.u32 $0xF7A, s1;
	s8 =	simm.s32 @!p0 $0x1BF5;
	p2 =	por !p2, p0  }
0x20: {  	[sflag:s8] =	ssyncset.s32 @!p0 $0xFFFFF086;
	s6 =	sadd.s32 @!p0 s3, s7;
	s7 =	simm.s32 @!p0 $0x108  }
0x21: {  	s3 =	sadd.s32 s3, s9;
	s6 =	sadd.s32 @!p0 $0x88, s6;
	s7 =	simm.s32 @p2 $0x1082  }
0x22: {  	[simem:s7], [sflag:s8] =	dma.local @!p0 [hbm:s6], $0xF7A  }
0x23: {  	s9 =	sor.u32 $0xD0000000, s2;
	s6 =	simm.s32 $0x108;
	_ =	swait.ge @!p0 [sflag:s8], $0x0  }
0x24: {  	s3 =	sadd.s32 $0x88, s3;
	s6 =	simm.s32 @!p1 $0x1082;
	[sflag:s4] =	ssyncset.s32 $0xFFFFF086  }
0x25: {  	[simem:s6], [sflag:s4] =	dma.local [hbm:s3], $0xF7A  }
0x26: {  	[smem:$0x3F9F] =	sst s1;
	(tag) =	ssettag s2;
	_ =	strace s9  }
0x27: {  	s1 =	sld [smem:$0x3FAF]  }
0x28: {  	s2 =	sld [smem:$0x3FB0]  }
0x29: {  	s4 =	sld [smem:$0x3FB2]  }
0x2a: {  	p0 =	seq.s32 s5, $0x0;
	s5 =	sld [smem:$0x3FB3]  }
0x2b: {  	s6 =	sld [smem:$0x3FB4]  }
0x2c: {  	s7 =	sld [smem:$0x3FB5]  }
0x2d: {  	s3 =	simm.s32 $0x108;
	s8 =	sld [smem:$0x3FB6]  }
0x2e: {  	s3 =	simm.s32 @!p0 $0x1082;
	s9 =	sld [smem:$0x3FB7]  }
0x2f: {  	lr =	sadd.s32 s0, s3;
	s0 =	sld [smem:$0x3FAE]  }
0x30: {  	s3 =	sld [smem:$0x3FB1]  }
0x31: {  	[smem:$0x3FBA] =	sst s10  }
0x32: {  	s10 =	sld [smem:$0x3FB8];
	_ =	sdelay $0x3  }
0x33: {  	p0 =	seq.s32 s10, $0x1;
	s10 =	sld [smem:$0x3FBA];
	_ =	sdelay $0x3  }
0x34: {  	[smem:$0x3FBA] =	sst s10  }
0x35: {  	s10 =	sld [smem:$0x3FB9];
	_ =	sdelay $0x3  }
0x36: {  	p1 =	seq.s32 s10, $0x1;
	s10 =	sld [smem:$0x3FBA];
	_ =	sdelay $0x3  }
0x37: {  	[smem:$0x3FBA] =	sst s10  }
0x38: {  	s10 =	sld [smem:$0x3FBB]  }
0x39: {  	_ = 	snop;
	(pc) =	sbr.ind lr, $3  }
0x3a: {  	_ = 	snop  }
0x3b: {  	_ = 	snop  }
0x3c: {  	p2 =	seq.s32 s10, $0x1;
	s10 =	sld [smem:$0x3FBA]  }
0x3d: {  	_ =	shalt  }
0x3e: {  	_ =	shalt  }
0x3f: {  	_ =	shalt  }
0x40: {  	_ =	shalt  }
0x41: {  	_ =	shalt  }
0x42: {  	_ =	shalt  }
0x43: {  	_ =	shalt  }
0x44: {  	_ =	shalt  }
0x45: {  	_ =	shalt  }
0x46: {  	_ =	shalt  }
0x47: {  	_ =	shalt  }
0x48: {  	_ =	shalt  }
0x49: {  	_ =	shalt  }
0x4a: {  	_ =	shalt  }
0x4b: {  	_ =	shalt  }
0x4c: {  	_ =	shalt  }
0x4d: {  	_ =	shalt  }
0x4e: {  	_ =	shalt  }
0x4f: {  	_ =	shalt  }
0x50: {  	_ =	shalt  }
0x51: {  	_ =	shalt  }
0x52: {  	_ =	shalt  }
0x53: {  	_ =	shalt  }
0x54: {  	_ =	shalt  }
0x55: {  	_ =	shalt  }
0x56: {  	_ =	shalt  }
0x57: {  	_ =	shalt  }
0x58: {  	_ =	shalt  }
0x59: {  	_ =	shalt  }
0x5a: {  	_ =	shalt  }
0x5b: {  	_ =	shalt  }
0x5c: {  	_ =	shalt  }
0x5d: {  	_ =	shalt  }
0x5e: {  	_ =	shalt  }
0x5f: {  	_ =	shalt  }
0x60: {  	_ =	shalt  }
0x61: {  	_ =	shalt  }
0x62: {  	_ =	shalt  }
0x63: {  	_ =	shalt  }
0x64: {  	_ =	shalt  }
0x65: {  	_ =	shalt  }
0x66: {  	_ =	shalt  }
0x67: {  	_ =	shalt  }
0x68: {  	_ =	shalt  }
0x69: {  	_ =	shalt  }
0x6a: {  	_ =	shalt  }
0x6b: {  	_ =	shalt  }
0x6c: {  	_ =	shalt  }
0x6d: {  	_ =	shalt  }
0x6e: {  	_ =	shalt  }
0x6f: {  	_ =	shalt  }
0x70: {  	_ =	shalt  }
0x71: {  	_ =	shalt  }
0x72: {  	_ =	shalt  }
0x73: {  	_ =	shalt  }
0x74: {  	_ =	shalt  }
0x75: {  	_ =	shalt  }
0x76: {  	_ =	shalt  }
0x77: {  	_ =	shalt  }
0x78: {  	_ =	shalt  }
0x79: {  	_ =	shalt  }
0x7a: {  	_ =	shalt  }
0x7b: {  	_ =	shalt  }
0x7c: {  	_ =	shalt  }
0x7d: {  	_ =	shalt  }
0x7e: {  	_ =	shalt  }
0x7f: {  	_ =	shalt  }
0x80: {  	_ =	shalt  }
0x81: {  	_ =	shalt  }
0x82: {  	_ =	shalt  }
0x83: {  	_ =	shalt  }
0x84: {  	_ =	shalt  }
0x85: {  	_ =	shalt  }
0x86: {  	_ =	shalt  }
0x87: {  	_ =	shalt  }
.Lfunc_end0:
.L_simem_size_0:
called_computation_lowered:
.L_overlay_start_0:
0x88: {  	s2 =	sld [smem:$0x3FD9]  }
0x89: {  	s3 =	sld [smem:$0x3FFE];
	_ =	sdelay $0x1  }
0x8a: {  	s1 =	srdreg.scid  }
0x8b: {  	s0 =	sand.u32 $0x1, s1  }
0x8c: {  	s17 =	sshll.u32 s0, $0xA;
	s2 =	sadd.s32 s3, s2  }
0x8d: {  	s2 =	sadd.s32 s2, s17  }
0x8e: {  	[smem:$0x3FC6] =	sst s2  }
0x8f: {  	_ = 	snop  }
0x90: {  	s2 =	sld [smem:$0x3FD0];
	(tm) =	ssettm $0x1  }
0x91: {  	s18 =	sld [smem:$0x3FFB];
	_ =	sdelay $0x3  }
0x92: {  	_ =	strace s18  }
0x93: {  	s3 =	sld [smem:$0x3FFC];
	_ =	sdelay $0x3  }
0x94: {  	_ =	strace s3  }
0x95: {  	s3 =	sld [smem:$0x3FFD];
	_ =	sdelay $0x3  }
0x96: {  	_ =	strace s3  }
0x97: {  	_ =	strace $0x8FFFFFFF  }
0x98: {  	s19 =	sld [smem:$0x3FDB];
	_ =	sdelay $0x1  }
0x99: {  	s4 =	simm.s32 $_scs_section_size  }
0x9a: {  	s5 =	simm.s32 $_size__tile_overlayer_lowered;
	s6 =	simm.s32 $_tile_overlayer_lowered  }
0x9b: {  	s22 =	simm.s32 $0x1BFF;
	s21 =	sshll.u32 s6, $0x1;
	s3 =	sadd.s32 s4, s19  }
0x9c: {  	s7 =	simm.s32 $0x0;
	s20 =	sshll.u32 s5, $0x1;
	s5 =	sadd.s32 s21, s3  }
0x9d: {  	[timem:s7], [sflag:s22] =	dma.local [hbm:s5], s20  }
0x9e: {  	_ =	swait.ge [sflag:s22], s20  }
0x9f: {  	s4 =	ssub.s32 $0x0, s20;
	[sflag:s22] =	ssyncset.done $0x0  }
0xa0: {  	[sflag:s22] =	ssyncadd.s32 s4;
	_ =	sdelay $0x1  }
0xa1: {  	s23 =	simm.s32 $0x1B8B  }
0xa2: {  	_ =	swait.ge [sflag:s23], $0x1  }
0xa3: {  	[sflag:s23] =	ssyncset.done $0x0  }
0xa4: {  	s25 =	simm.s32 $0x1B8E;
	s24 =	sld [smem:$0x3FFE];
	[sflag:s23] =	ssyncadd.s32 $0xFFFFFFFF  }
0xa5: {  	s26 =	simm.s32 $execute0_lowered;
	[smem:$0x3FD2] =	sst s25  }
0xa6: {  	s5 =	sshll.u32 s26, $0x1;
	_ =	strace $0x80000046;
	[dreg:$0x1] =	wrdreg $0xFFFFFFFF  }
0xa7: {  	s28 =	simm.s32 $_size_execute0_lowered;
	s3 =	sadd.s32 s3, s5;
	[dreg:$0x0] =	wrdreg $0x0  }
0xa8: {  	s5 =	sshll.u32 s28, $0x1;
	[dreg:$0x2] =	wrdreg s3  }
0xa9: {  	[dreg:$0x3] =	wrdreg s5  }
0xaa: {  	[dreg:$0x4] =	wrdreg $0xC0  }
0xab: {  	_ =	task [dreg:s7], $0x5FFFF  }
0xac: {  	[dreg:$0x1] =	wrdreg $0xFFFFFFFF  }
0xad: {  	[dreg:$0x0] =	wrdreg $0x60  }
0xae: {  	[dreg:$0x2] =	wrdreg s2  }
0xaf: {  	[dreg:$0x3] =	wrdreg s24  }
0xb0: {  	[dreg:$0x4] =	wrdreg $0x9  }
0xb1: {  	_ =	task.clear_ibuf [dreg:s7], $0x5FFFF;
	_ =	strace $0x90000046  }
0xb2: {  	s29 =	simm.s32 $0x9;
	_ =	strace $0x80000048  }
0xb3: {  	_ =	swait.ge [sflag:s29], $0x1  }
0xb4: {  	[sflag:s29] =	ssyncadd.s32 $0xFFFFFFFF  }
0xb5: {  	_ =	strace $0x90000048  }
0xb6: {  	_ =	sfence  }
0xb7: {  	s30 =	sld [smem:$0x0];
	_ =	sdelay $0x2  }
0xb8: {  	s31 =	sshll.u32 s1, $0xD;
	s1 =	sshrl.u32 s1, $0x2  }
0xb9: {  	s3 =	sand.u32 $0x4000, s31;
	s1 =	sadd.s32 s1, s30  }
0xba: {  	s0 =	sor.u32 s3, s0;
	s1 =	sshll.u32 s1, $0x11  }
0xbb: {  	s0 =	sor.u32 s1, s0  }
0xbc: {  	s0 =	sadd.s32 $0x8F2B, s0  }
0xbd: {  	[sflag:s0] =	ssyncadd.remote.s32 $0x1  }
0xbe: {  	_ =	sfence.sel $0xFFFF  }
0xbf: {  	[dreg:$0x0] =	wrdreg $0xFFFFFFFF;
	(pc) =	sbr.abs _section_cstart, $3  }
0xc0: {  	[dreg:$0x1] =	wrdreg $0xFFFFFFFF  }
0xc1: {  	_ =	task.clear_ibuf [dreg:s7], $0x2FFFF;
	_ =	strace $0x9FFFFFFF  }
0xc2: {  	(tm) =	ssettm $0x7FFFFFFF  }
0xc3: {  	_ =	shalt  }
tec
execute0_lowered:
.L_overlay_start_1:
0x0: {  	(tag) =	ssettag $0x1  }
0x1: {  	s3 =	rddreg [dreg:$0x0]  }
0x2: {  	s4 =	rddreg [dreg:$0x1]  }
0x3: {  	s0 =	rddreg [dreg:$0x2];
	s2 =	simm.s32 $0x0;
	s5 =	srdreg.scid  }
0x4: {  	s1 =	stileid.u32;
	s9 =	simm.s32 $0x180;
	s10 =	simm.s32 $0x0  }
0x5: {  	[smem:$0x7FF] =	sst s2;
	s5 =	sand.u32 $0x1, s5;
	s6 =	sshll.u32 s1, $0x8  }
0x6: {  	s7 =	sshrl.u32 s1, $0x2;
	s8 =	sshll.u32 s5, $0x7;
	s6 =	sand.u32 $0x300, s6  }
0x7: {  	s30 =	sshll.u32 s7, $0xE;
	s7 =	smul.u32 $0xC00, s7;
	s5 =	ssub.s32 $0x2, s5  }
0x8: {  	_ =	strace $0x80000047;
	s6 =	sor.u32 s8, s6;
	s31 =	sshrl.u32 s5, $0x1  }
0x9: {  	s8 =	sor.u32 s30, s6;
	s6 =	sor.u32 s7, s6;
	s5 =	ssub.s32 s5, s31  }
0xa: {  	s7 =	simm.s32 $0x400;
	s8 =	sshrl.u32 s8, $0x3;
	s6 =	sshrl.u32 s6, $0x3  }
0xb: {  	v0 =	vimm.s32 $0x0;
	vm0 =	vcmask $0x300;
	s5 =	smax.u32 s5, $0x1;
	s4 =	sadd.s32 s8, s4;
	s3 =	sadd.s32 s3, s6  }
0xc: {  	v2 =	vimm.s32 $0x1;
	v1 =	vsel vm0, $0x1, v0;
	s6 =	simm.s32 $0x80;
	s8 =	simm.s32 $0x1;
	s4 =	sadd.s32 $0x400, s4  }
.LBB2_1:
0xd: {  	[tilespmem:s2], [sflag:$0x1] =	stream.strided.gather [hbm4b:s3+s6], $0x180, s7, s6, $0x38;
	[tilespmem:$0x980] =	vst v63  }
0xe: {  	_ =	swait.ge [sflag:s8], $0x180  }
0xf: {  	[sflag:s8] =	ssyncset.done $0x0  }
0x10: {  	s11 =	simm.s32 $0x40;
	s12 =	simm.s32 $0x0;
	[sflag:s8] =	ssyncadd.s32 $0xFFFFFE80  }
.LBB2_2:
0x11: {  	p0 =	sne.s32 s11, $0x1FC0;
	[tilespmem:s12+$0x180] =	vst v0;
	s12 =	smov.u32 s11;
	s11 =	sadd.s32 $0x40, s11  }
.Ltmp0:
0x12: {  	(pc) =	sbr.rel @p0 .LBB2_2-.Ltmp0, $2  }
0x13: {  	_ =	sdelay $0x2  }
0x14: {  	s12 =	sshra.s32 s12, $0x2  }
0x15: {  	[tilespmem:s12+$0x180] =	vst v0  }
0x16: {  	v3 =	vld [tilespmem:$0x0];
	_ =	sdelay $0x6  }
0x17: {  	[tilespmem:$0x180] =	vst v1  }
0x18: {  	[tilespmem:v3+s9+$0x0] =	vst.idx.msk $0xffff, v2  }
0x19: {  	v3 =	vld [tilespmem:$0x10];
	_ =	sdelay $0x7  }
0x1a: {  	[tilespmem:v3+s9+$0x0] =	vst.idx.msk $0xffff, v2  }
0x1b: {  	v3 =	vld [tilespmem:$0x20];
	_ =	sdelay $0x7  }
0x1c: {  	[tilespmem:v3+s9+$0x0] =	vst.idx.msk $0xffff, v2  }
0x1d: {  	v3 =	vld [tilespmem:$0x30];
	_ =	sdelay $0x7  }
0x1e: {  	[tilespmem:v3+s9+$0x0] =	vst.idx.msk $0xffff, v2  }
0x1f: {  	v3 =	vld [tilespmem:$0x40];
	_ =	sdelay $0x7  }
0x20: {  	[tilespmem:v3+s9+$0x0] =	vst.idx.msk $0xffff, v2  }
0x21: {  	v3 =	vld [tilespmem:$0x50];
	_ =	sdelay $0x7  }
0x22: {  	[tilespmem:v3+s9+$0x0] =	vst.idx.msk $0xffff, v2  }
0x23: {  	v3 =	vld [tilespmem:$0x60];
	_ =	sdelay $0x7  }
0x24: {  	[tilespmem:v3+s9+$0x0] =	vst.idx.msk $0xffff, v2  }
0x25: {  	v3 =	vld [tilespmem:$0x70];
	_ =	sdelay $0x7  }
0x26: {  	[tilespmem:v3+s9+$0x0] =	vst.idx.msk $0xffff, v2  }
0x27: {  	v3 =	vld [tilespmem:$0x80];
	_ =	sdelay $0x7  }
0x28: {  	[tilespmem:v3+s9+$0x0] =	vst.idx.msk $0xffff, v2  }
0x29: {  	v3 =	vld [tilespmem:$0x90];
	_ =	sdelay $0x7  }
0x2a: {  	[tilespmem:v3+s9+$0x0] =	vst.idx.msk $0xffff, v2  }
0x2b: {  	v3 =	vld [tilespmem:$0xA0];
	_ =	sdelay $0x7  }
0x2c: {  	[tilespmem:v3+s9+$0x0] =	vst.idx.msk $0xffff, v2  }
0x2d: {  	v3 =	vld [tilespmem:$0xB0];
	_ =	sdelay $0x7  }
0x2e: {  	[tilespmem:v3+s9+$0x0] =	vst.idx.msk $0xffff, v2  }
0x2f: {  	v3 =	vld [tilespmem:$0xC0];
	_ =	sdelay $0x7  }
0x30: {  	[tilespmem:v3+s9+$0x0] =	vst.idx.msk $0xffff, v2  }
0x31: {  	v3 =	vld [tilespmem:$0xD0];
	_ =	sdelay $0x7  }
0x32: {  	[tilespmem:v3+s9+$0x0] =	vst.idx.msk $0xffff, v2  }
0x33: {  	v3 =	vld [tilespmem:$0xE0];
	_ =	sdelay $0x7  }
0x34: {  	[tilespmem:v3+s9+$0x0] =	vst.idx.msk $0xffff, v2  }
0x35: {  	v3 =	vld [tilespmem:$0xF0];
	_ =	sdelay $0x7  }
0x36: {  	[tilespmem:v3+s9+$0x0] =	vst.idx.msk $0xffff, v2  }
0x37: {  	v3 =	vld [tilespmem:$0x100];
	_ =	sdelay $0x7  }
0x38: {  	[tilespmem:v3+s9+$0x0] =	vst.idx.msk $0xffff, v2  }
0x39: {  	v3 =	vld [tilespmem:$0x110];
	_ =	sdelay $0x7  }
0x3a: {  	[tilespmem:v3+s9+$0x0] =	vst.idx.msk $0xffff, v2  }
0x3b: {  	v3 =	vld [tilespmem:$0x120];
	_ =	sdelay $0x7  }
0x3c: {  	[tilespmem:v3+s9+$0x0] =	vst.idx.msk $0xffff, v2  }
0x3d: {  	v3 =	vld [tilespmem:$0x130];
	_ =	sdelay $0x7  }
0x3e: {  	[tilespmem:v3+s9+$0x0] =	vst.idx.msk $0xffff, v2  }
0x3f: {  	v3 =	vld [tilespmem:$0x140];
	_ =	sdelay $0x7  }
0x40: {  	[tilespmem:v3+s9+$0x0] =	vst.idx.msk $0xffff, v2  }
0x41: {  	v3 =	vld [tilespmem:$0x150];
	_ =	sdelay $0x7  }
0x42: {  	[tilespmem:v3+s9+$0x0] =	vst.idx.msk $0xffff, v2  }
0x43: {  	v3 =	vld [tilespmem:$0x160];
	_ =	sdelay $0x7  }
0x44: {  	[tilespmem:v3+s9+$0x0] =	vst.idx.msk $0xffff, v2  }
0x45: {  	v3 =	vld [tilespmem:$0x170];
	_ =	sdelay $0x5  }
0x46: {  	s10 =	sadd.s32 $0x1, s10  }
0x47: {  	p0 =	sne.s32 s10, s5  }
.Ltmp1:
0x48: {  	[tilespmem:v3+s9+$0x0] =	vst.idx.msk $0xffff, v2;
	(pc) =	sbr.rel @p0 .LBB2_1-.Ltmp1, $4  }
0x49: {  	[hbm4b:s4+s6] =	stream.strided.scatter [tilespmem:s9], [sflag:$0x1], $0x800, s7, s6, $0x38;
	[tilespmem:$0x980] =	vst v63  }
0x4a: {  	_ =	swait.ge [sflag:s8], $0x800  }
0x4b: {  	[sflag:s8] =	ssyncset.done $0x0  }
0x4c: {  	[sflag:s8] =	ssyncadd.s32 $0xFFFFF800  }
0x4d: {  	_ =	sfence.sel $0x180000  }
0x4e: {  	[bflag:$0x0] =	sbarrier.arrive $0xFFFF  }
0x4f: {  	p0 =	sne.s32 s1, $0x0;
	_ =	strace $0x90000047  }
0x50: {  	s0 =	sadd.s32 @!p0 $0x100000, s0;
	[bflag:$0x2] =	sbarrier.arrive $0xFFFF  }
0x51: {  	[sflag:s0] =	ssyncadd.tile.s32 @!p0 $0x1;
	_ =	shalt  }
.Lfunc_end2:
_tile_overlayer_lowered:
.L_overlay_start_2:
0x52: {  	(tag) =	ssettag $0x2  }
0x53: {  	s0 =	rddreg [dreg:$0x0];
	s2 =	stileid.u32  }
0x54: {  	s1 =	rddreg [dreg:$0x1];
	p0 =	sne.s32 s2, $0x0  }
0x55: {  	s3 =	rddreg [dreg:$0x2];
	[bflag:$0x3] =	sbarrier.arrive $0xFFFF;
	s2 =	simm.s32 @!p0 $0x1C01  }
0x56: {  	[timem:s3], [sflag:s2] =	dma.local @!p0 [hbm:s0], s1  }
0x57: {  	s0 =	simm.s32 @!p0 $0x1  }
0x58: {  	_ =	swait.ge @!p0 [sflag:s0], s1  }
0x59: {  	s1 =	ssub.s32 @!p0 $0x0, s1;
	[sflag:s0] =	ssyncset.done @!p0 $0x0  }
0x5a: {  	[sflag:s0] =	ssyncadd.s32 @!p0 s1  }
0x5b: {  	[bflag:$0x3] =	sbarrier.arrive $0xFFFF  }
0x5c: {  	_ =	shalt  }

</sc_bundles>
